<compile_context>
chip_gen: v7x
topology: tpu7x:2x2x1
jax: 0.10.2.dev20260603
libtpu: 0.0.44.dev20260713+nightly
codegen_flags: <defaults>
</compile_context>

<pallas_src>
import functools

import jax
import jax.numpy as jnp
from jax import lax
from jax.experimental import pallas as pl
from jax.experimental.pallas import tpu as pltpu
from jax.experimental.pallas import tpu_sc as plsc

GAMMA = 12.0
U = 1.0

_NC = 2
_NS = 16
_NW = _NC * _NS
_CHUNK = 128


def _sc_gather(entity_embedding, relation_embedding, neg_idx, head_idx,
               rel_idx, tail_idx):
    n_total = neg_idx.shape[0]
    b = head_idx.shape[0]
    ent_dim = entity_embedding.shape[1]
    rel_dim = relation_embedding.shape[1]
    assert rel_dim == ent_dim
    n_per_w = n_total // _NW
    n_chunks = n_per_w // _CHUNK
    b_per_w = b // _NW

    mesh = plsc.VectorSubcoreMesh(core_axis_name="c", subcore_axis_name="s",
                                  num_cores=_NC, num_subcores=_NS)

    @functools.partial(
        pl.kernel,
        out_type=(
            jax.ShapeDtypeStruct((n_total, ent_dim), jnp.float32),
            jax.ShapeDtypeStruct((b, ent_dim), jnp.float32),
            jax.ShapeDtypeStruct((b, ent_dim), jnp.float32),
            jax.ShapeDtypeStruct((b, ent_dim), jnp.float32),
        ),
        mesh=mesh,
        scratch_types=[
            pltpu.VMEM((n_per_w,), jnp.int32),
            pltpu.VMEM((_CHUNK, ent_dim), jnp.float32),
            pltpu.VMEM((b_per_w,), jnp.int32),
            pltpu.VMEM((b_per_w, ent_dim), jnp.float32),
            pltpu.SemaphoreType.DMA,
        ],
    )
    def k(ent_hbm, rel_hbm, nidx_hbm, hidx_hbm, ridx_hbm, tidx_hbm,
          nout_hbm, hout_hbm, tout_hbm, rout_hbm,
          nidx_v, nrows_v, pidx_v, prows_v, sem):
        wid = lax.axis_index("s") * _NC + lax.axis_index("c")
        nbase = wid * n_per_w
        pbase = wid * b_per_w

        pltpu.sync_copy(nidx_hbm.at[pl.ds(nbase, n_per_w)], nidx_v)

        def body(g, carry):
            off = g * _CHUNK
            pltpu.async_copy(ent_hbm.at[nidx_v.at[pl.ds(off, _CHUNK)]],
                             nrows_v, sem).wait()
            pltpu.sync_copy(nrows_v, nout_hbm.at[pl.ds(nbase + off, _CHUNK)])
            return carry

        lax.fori_loop(0, n_chunks, body, 0, unroll=False)

        pltpu.sync_copy(hidx_hbm.at[pl.ds(pbase, b_per_w)], pidx_v)
        pltpu.async_copy(ent_hbm.at[pidx_v], prows_v, sem).wait()
        pltpu.sync_copy(prows_v, hout_hbm.at[pl.ds(pbase, b_per_w)])
        pltpu.sync_copy(tidx_hbm.at[pl.ds(pbase, b_per_w)], pidx_v)
        pltpu.async_copy(ent_hbm.at[pidx_v], prows_v, sem).wait()
        pltpu.sync_copy(prows_v, tout_hbm.at[pl.ds(pbase, b_per_w)])
        pltpu.sync_copy(ridx_hbm.at[pl.ds(pbase, b_per_w)], pidx_v)
        pltpu.async_copy(rel_hbm.at[pidx_v], prows_v, sem).wait()
        pltpu.sync_copy(prows_v, rout_hbm.at[pl.ds(pbase, b_per_w)])

    return k(entity_embedding, relation_embedding, neg_idx, head_idx,
             rel_idx, tail_idx)


def _normalize(x):
    return x * lax.rsqrt(jnp.sum(x * x, axis=-1, keepdims=True))


def _score_body(neg_ref, head_ref, tail_ref, rel_ref, cond_ref,
                pos_ref, negs_ref):
    h = head_ref[...]
    t = tail_ref[...]
    m = rel_ref[...]
    n = neg_ref[...]
    hd = h.shape[1] // 2

    ah = _normalize(h[:, :hd])
    bh = _normalize(h[:, hd:]) + U
    at = _normalize(t[:, :hd])
    bt = _normalize(t[:, hd:]) + U

    pos_ref[...] = GAMMA - jnp.sum(jnp.abs(ah * bt - at * bh + m),
                                   axis=-1, keepdims=True)

    an = _normalize(n[:, :, :hd])
    bn = _normalize(n[:, :, hd:]) + U
    m3 = m[:, None, :]
    tail_s = GAMMA - jnp.sum(
        jnp.abs(ah[:, None, :] * bn - an * bh[:, None, :] + m3), axis=-1)
    head_s = GAMMA - jnp.sum(
        jnp.abs(an * bt[:, None, :] - at[:, None, :] * bn + m3), axis=-1)
    c = cond_ref[0, 0]
    negs_ref[...] = head_s * c + tail_s * (1.0 - c)


def _tc_score(neg_rows, head_rows, tail_rows, rel_mid, cond):
    b, ent_dim = head_rows.shape
    neg = neg_rows.shape[0] // b
    hd = ent_dim // 2
    neg3 = neg_rows.reshape(b, neg, ent_dim)
    rb = 8
    grid = (b // rb,)
    return pl.pallas_call(
        _score_body,
        grid=grid,
        in_specs=[
            pl.BlockSpec((rb, neg, ent_dim), lambda i: (i, 0, 0)),
            pl.BlockSpec((rb, ent_dim), lambda i: (i, 0)),
            pl.BlockSpec((rb, ent_dim), lambda i: (i, 0)),
            pl.BlockSpec((rb, hd), lambda i: (i, 0)),
            pl.BlockSpec(memory_space=pltpu.SMEM),
        ],
        out_specs=[
            pl.BlockSpec((rb, 1), lambda i: (i, 0)),
            pl.BlockSpec((rb, neg), lambda i: (i, 0)),
        ],
        out_shape=[
            jax.ShapeDtypeStruct((b, 1), jnp.float32),
            jax.ShapeDtypeStruct((b, neg), jnp.float32),
        ],
    )(neg3, head_rows, tail_rows, rel_mid, cond)


def kernel(entity_embedding, relation_embedding, positive_sample,
           negative_sample, mode):
    neg_idx = negative_sample.reshape(-1).astype(jnp.int32)
    head_idx = positive_sample[:, 0].astype(jnp.int32)
    rel_idx = positive_sample[:, 1].astype(jnp.int32)
    tail_idx = positive_sample[:, 2].astype(jnp.int32)

    ent_dim = entity_embedding.shape[1]
    hd = ent_dim // 2
    neg_rows, head_rows, tail_rows, rel_rows = _sc_gather(
        entity_embedding, relation_embedding[:, :ent_dim], neg_idx,
        head_idx, rel_idx, tail_idx)

    cond = jnp.where(jnp.asarray(mode) == 0, 1.0, 0.0)
    cond = cond.astype(jnp.float32).reshape(1, 1)
    rel_mid = rel_rows[:, hd:2 * hd]
    positive_score, negative_score = _tc_score(
        neg_rows, head_rows, tail_rows, rel_mid, cond)
    return positive_score, negative_score

# --- scband reference (transcript-rebuilt; emitter-appended) ---
"""Pipeline reference for scband-tfkgemodel-43035572306409 (READ-ONLY COPY).

The authoritative reference and input builder live on the scoring server;
editing this copy changes nothing except your own understanding.
"""

import jax, jax.numpy as jnp
import numpy as np

NENTITY = 1000000
NRELATION = 1000
HIDDEN = 64
ENT_DIM = 2 * HIDDEN   # double_entity_embedding
REL_DIM = 3 * HIDDEN   # triple_relation_embedding
GAMMA = 12.0
EPSILON = 2.0
U = 1.0
B = 4096
NEG = 256


def setup_inputs(seed: int = 0) -> dict:
    key = jax.random.key(seed)
    k1, k2, k3, k4, k5, k6 = jax.random.split(key, 6)
    init_range = (GAMMA + EPSILON) / HIDDEN
    entity_embedding = jax.random.uniform(k1, (NENTITY, ENT_DIM), minval=-init_range, maxval=init_range, dtype=jnp.float32)
    relation_embedding = jax.random.uniform(k2, (NRELATION, REL_DIM), minval=-init_range, maxval=init_range, dtype=jnp.float32)
    heads = jax.random.randint(k3, (B, 1), 0, NENTITY)
    rels = jax.random.randint(k4, (B, 1), 0, NRELATION)
    tails = jax.random.randint(k5, (B, 1), 0, NENTITY)
    positive_sample = jnp.concatenate([heads, rels, tails], axis=1)
    negative_sample = jax.random.randint(k6, (B, NEG), 0, NENTITY)
    return {
        'entity_embedding': entity_embedding,
        'relation_embedding': relation_embedding,
        'positive_sample': positive_sample,
        'negative_sample': negative_sample,
        'mode': 1,
    }


def _l2_normalize(x):
    return x / jnp.linalg.norm(x, ord=2, axis=-1, keepdims=True)


def _interht(head, relation, tail):
    a_head, b_head = jnp.split(head, 2, axis=2)
    _, re_mid, _ = jnp.split(relation, 3, axis=2)
    a_tail, b_tail = jnp.split(tail, 2, axis=2)
    e_h = jnp.ones_like(b_head)
    e_t = jnp.ones_like(b_tail)
    a_head = _l2_normalize(a_head)
    a_tail = _l2_normalize(a_tail)
    b_head = _l2_normalize(b_head)
    b_tail = _l2_normalize(b_tail)
    b_head = b_head + U * e_h
    b_tail = b_tail + U * e_t
    score = a_head * b_tail - a_tail * b_head + re_mid
    score = GAMMA - jnp.sum(jnp.abs(score), axis=2)
    return score


def reference(entity_embedding, relation_embedding, positive_sample, negative_sample, mode):
    # positive_call: gather (h, r, t) triples and score them
    head = jnp.take(entity_embedding, positive_sample[:, 0], axis=0)[:, None, :]
    relation = jnp.take(relation_embedding, positive_sample[:, 1], axis=0)[:, None, :]
    tail = jnp.take(entity_embedding, positive_sample[:, 2], axis=0)[:, None, :]
    positive_score = _interht(head, relation, tail)

    # negative_call: head-batch branch
    bsz, neg = negative_sample.shape
    head_neg = jnp.take(entity_embedding, negative_sample.reshape(-1), axis=0).reshape(bsz, neg, -1)
    head_score = _interht(head_neg, relation, tail)

    # negative_call: tail-batch branch
    tail_neg = jnp.take(entity_embedding, negative_sample.reshape(-1), axis=0).reshape(bsz, neg, -1)
    tail_score = _interht(head, relation, tail_neg)

    cond = jnp.where(jnp.asarray(mode) == 0, 1.0, 0.0)
    negative_score = head_score * cond + tail_score * (1.0 - cond)
    return positive_score, negative_score

if __name__ == "__main__":
    import jax
    _d = setup_inputs()
    print(jax.jit(kernel)(*tuple(_d.values())))

</pallas_src>

<mosaic_0001>
#map = affine_map<(d0, d1) -> (0, 0)>
#map1 = affine_map<(d0, d1) -> (0)>
module attributes {stable_mosaic.version = 14 : i64} {
  func.func @k(%arg0: i32, %arg1: i32, %arg2: memref<1000000x128xf32, #tpu.memory_space<hbm>>, %arg3: memref<1000x128xf32, #tpu.memory_space<hbm>>, %arg4: memref<1048576xi32, #tpu.memory_space<hbm>>, %arg5: memref<4096xi32, #tpu.memory_space<hbm>>, %arg6: memref<4096xi32, #tpu.memory_space<hbm>>, %arg7: memref<4096xi32, #tpu.memory_space<hbm>>, %arg8: memref<1048576x128xf32, #tpu.memory_space<hbm>>, %arg9: memref<4096x128xf32, #tpu.memory_space<hbm>>, %arg10: memref<4096x128xf32, #tpu.memory_space<hbm>>, %arg11: memref<4096x128xf32, #tpu.memory_space<hbm>>, %arg12: memref<32768xi32, #tpu.memory_space<vmem>>, %arg13: memref<128x128xf32, #tpu.memory_space<vmem>>, %arg14: memref<128xi32, #tpu.memory_space<vmem>>, %arg15: memref<128x128xf32, #tpu.memory_space<vmem>>, %arg16: memref<!tpu.dma_semaphore, #tpu.memory_space<semaphore_mem>>) attributes {dimension_semantics = [#tpu.dimension_semantics<core_parallel>, #tpu.dimension_semantics<subcore_parallel>], iteration_bounds = array<i64: 2, 16>, scalar_prefetch = 0 : i64, scratch_operands = 5 : i64, tpu.core_type = #tpu.core_type<sc_vector_subcore>, window_params = [{transform_indices = #map}, {transform_indices = #map}, {transform_indices = #map1}, {transform_indices = #map1}, {transform_indices = #map1}, {transform_indices = #map1}, {transform_indices = #map}, {transform_indices = #map}, {transform_indices = #map}, {transform_indices = #map}]} {
    %mul3A = arith.constant 2 : i32
    %mul3A_0 = arith.muli %arg1, %mul3A : i32
    %add3A = arith.addi %mul3A_0, %arg0 : i32
    %mul3A_1 = arith.constant 32768 : i32
    %mul3A_2 = arith.muli %add3A, %mul3A_1 : i32
    %mul3A_3 = arith.constant 128 : i32
    %mul3A_4 = arith.muli %add3A, %mul3A_3 : i32
    "tpu.region"() ({
      %run_scoped3A = tpu.sem_alloc : memref<!tpu.dma_semaphore, #tpu.memory_space<semaphore_mem>>
      %dma_start3A_26 = tpu.memref_slice %arg4[%mul3A_2] : memref<1048576xi32, #tpu.memory_space<hbm>> -> memref<32768xi32, #tpu.memory_space<hbm>>
      %dma_start3A_27 = tpu.memref_slice %arg4[%mul3A_2] : memref<1048576xi32, #tpu.memory_space<hbm>> -> memref<32768xi32, #tpu.memory_space<hbm>>
      tpu.enqueue_dma source(%dma_start3A_27 : memref<32768xi32, #tpu.memory_space<hbm>>) target(%arg12 : memref<32768xi32, #tpu.memory_space<vmem>>) target_semaphore(%run_scoped3A : memref<!tpu.dma_semaphore, #tpu.memory_space<semaphore_mem>>)
      %dma_wait3A_28 = tpu.memref_slice %arg4[%mul3A_2] : memref<1048576xi32, #tpu.memory_space<hbm>> -> memref<32768xi32, #tpu.memory_space<hbm>>
      %dma_wait3A_29 = tpu.memref_slice %arg4[%mul3A_2] : memref<1048576xi32, #tpu.memory_space<hbm>> -> memref<32768xi32, #tpu.memory_space<hbm>>
      tpu.wait_dma2 semaphore(%run_scoped3A : memref<!tpu.dma_semaphore, #tpu.memory_space<semaphore_mem>>) src(%dma_wait3A_29 : memref<32768xi32, #tpu.memory_space<hbm>>) dst(%arg12 : memref<32768xi32, #tpu.memory_space<vmem>>)
      tpu.yield
    }) : () -> ()
    %scan3A = arith.constant 0 : i32
    %scan3A_5 = arith.constant 0 : i32
    %scan3A_6 = arith.constant 256 : i32
    %scan3A_7 = arith.addi %scan3A_5, %scan3A_6 : i32
    %scan3A_8 = arith.constant 1 : i32
    scf.for %scan3A_26 = %scan3A_5 to %scan3A_7 step %scan3A_8  : i32 {
      %mul3A_27 = arith.constant 128 : i32
      %mul3A_28 = arith.muli %scan3A_26, %mul3A_27 : i32
      %dma_start3A_29 = tpu.memref_slice %arg12[%mul3A_28] : memref<32768xi32, #tpu.memory_space<vmem>> -> memref<128xi32, #tpu.memory_space<vmem>>
      %dma_start3A_30 = arith.constant 0 : i32
      %dma_start3A_31 = arith.constant 0 : i32
      %dma_start3A_32 = tpu.memref_slice %arg2[%dma_start3A_30, %dma_start3A_31] : memref<1000000x128xf32, #tpu.memory_space<hbm>> -> memref<1000000x128xf32, #tpu.memory_space<hbm>>
      tpu.enqueue_indirect_dma source(%dma_start3A_32 : memref<1000000x128xf32, #tpu.memory_space<hbm>>) target(%arg13 : memref<128x128xf32, #tpu.memory_space<vmem>>) offsets(%dma_start3A_29 : memref<128xi32, #tpu.memory_space<vmem>>) semaphore(%arg16 : memref<!tpu.dma_semaphore, #tpu.memory_space<semaphore_mem>>)
      %dma_wait3A_33 = tpu.memref_slice %arg12[%mul3A_28] : memref<32768xi32, #tpu.memory_space<vmem>> -> memref<128xi32, #tpu.memory_space<vmem>>
      %dma_wait3A_34 = arith.constant 0 : i32
      %dma_wait3A_35 = arith.constant 0 : i32
      %dma_wait3A_36 = tpu.memref_slice %arg2[%dma_wait3A_34, %dma_wait3A_35] : memref<1000000x128xf32, #tpu.memory_space<hbm>> -> memref<1000000x128xf32, #tpu.memory_space<hbm>>
      tpu.wait_indirect_dma semaphore(%arg16 : memref<!tpu.dma_semaphore, #tpu.memory_space<semaphore_mem>>) src(%dma_wait3A_36 : memref<1000000x128xf32, #tpu.memory_space<hbm>>) dst(%arg13 : memref<128x128xf32, #tpu.memory_space<vmem>>)
      %add3A_37 = arith.addi %mul3A_2, %mul3A_28 : i32
      "tpu.region"() ({
        %run_scoped3A = tpu.sem_alloc : memref<!tpu.dma_semaphore, #tpu.memory_space<semaphore_mem>>
        %dma_start3A_38 = arith.constant 0 : i32
        %dma_start3A_39 = tpu.memref_slice %arg8[%add3A_37, %dma_start3A_38] : memref<1048576x128xf32, #tpu.memory_space<hbm>> -> memref<128x128xf32, #tpu.memory_space<hbm>>
        %dma_start3A_40 = arith.constant 0 : i32
        %dma_start3A_41 = tpu.memref_slice %arg8[%add3A_37, %dma_start3A_40] : memref<1048576x128xf32, #tpu.memory_space<hbm>> -> memref<128x128xf32, #tpu.memory_space<hbm>>
        tpu.enqueue_dma source(%arg13 : memref<128x128xf32, #tpu.memory_space<vmem>>) target(%dma_start3A_41 : memref<128x128xf32, #tpu.memory_space<hbm>>) target_semaphore(%run_scoped3A : memref<!tpu.dma_semaphore, #tpu.memory_space<semaphore_mem>>)
        %dma_wait3A_42 = arith.constant 0 : i32
        %dma_wait3A_43 = tpu.memref_slice %arg8[%add3A_37, %dma_wait3A_42] : memref<1048576x128xf32, #tpu.memory_space<hbm>> -> memref<128x128xf32, #tpu.memory_space<hbm>>
        %dma_wait3A_44 = arith.constant 0 : i32
        %dma_wait3A_45 = tpu.memref_slice %arg8[%add3A_37, %dma_wait3A_44] : memref<1048576x128xf32, #tpu.memory_space<hbm>> -> memref<128x128xf32, #tpu.memory_space<hbm>>
        tpu.wait_dma2 semaphore(%run_scoped3A : memref<!tpu.dma_semaphore, #tpu.memory_space<semaphore_mem>>) src(%arg13 : memref<128x128xf32, #tpu.memory_space<vmem>>) dst(%dma_wait3A_45 : memref<128x128xf32, #tpu.memory_space<hbm>>)
        tpu.yield
      }) : () -> ()
    }
    %scan3A_9 = arith.constant 256 : i32
    "tpu.region"() ({
      %run_scoped3A = tpu.sem_alloc : memref<!tpu.dma_semaphore, #tpu.memory_space<semaphore_mem>>
      %dma_start3A_26 = tpu.memref_slice %arg5[%mul3A_4] : memref<4096xi32, #tpu.memory_space<hbm>> -> memref<128xi32, #tpu.memory_space<hbm>>
      %dma_start3A_27 = tpu.memref_slice %arg5[%mul3A_4] : memref<4096xi32, #tpu.memory_space<hbm>> -> memref<128xi32, #tpu.memory_space<hbm>>
      tpu.enqueue_dma source(%dma_start3A_27 : memref<128xi32, #tpu.memory_space<hbm>>) target(%arg14 : memref<128xi32, #tpu.memory_space<vmem>>) target_semaphore(%run_scoped3A : memref<!tpu.dma_semaphore, #tpu.memory_space<semaphore_mem>>)
      %dma_wait3A_28 = tpu.memref_slice %arg5[%mul3A_4] : memref<4096xi32, #tpu.memory_space<hbm>> -> memref<128xi32, #tpu.memory_space<hbm>>
      %dma_wait3A_29 = tpu.memref_slice %arg5[%mul3A_4] : memref<4096xi32, #tpu.memory_space<hbm>> -> memref<128xi32, #tpu.memory_space<hbm>>
      tpu.wait_dma2 semaphore(%run_scoped3A : memref<!tpu.dma_semaphore, #tpu.memory_space<semaphore_mem>>) src(%dma_wait3A_29 : memref<128xi32, #tpu.memory_space<hbm>>) dst(%arg14 : memref<128xi32, #tpu.memory_space<vmem>>)
      tpu.yield
    }) : () -> ()
    %dma_start3A = arith.constant 0 : i32
    %dma_start3A_10 = arith.constant 0 : i32
    %dma_start3A_11 = tpu.memref_slice %arg2[%dma_start3A, %dma_start3A_10] : memref<1000000x128xf32, #tpu.memory_space<hbm>> -> memref<1000000x128xf32, #tpu.memory_space<hbm>>
    tpu.enqueue_indirect_dma source(%dma_start3A_11 : memref<1000000x128xf32, #tpu.memory_space<hbm>>) target(%arg15 : memref<128x128xf32, #tpu.memory_space<vmem>>) offsets(%arg14 : memref<128xi32, #tpu.memory_space<vmem>>) semaphore(%arg16 : memref<!tpu.dma_semaphore, #tpu.memory_space<semaphore_mem>>)
    %dma_wait3A = arith.constant 0 : i32
    %dma_wait3A_12 = arith.constant 0 : i32
    %dma_wait3A_13 = tpu.memref_slice %arg2[%dma_wait3A, %dma_wait3A_12] : memref<1000000x128xf32, #tpu.memory_space<hbm>> -> memref<1000000x128xf32, #tpu.memory_space<hbm>>
    tpu.wait_indirect_dma semaphore(%arg16 : memref<!tpu.dma_semaphore, #tpu.memory_space<semaphore_mem>>) src(%dma_wait3A_13 : memref<1000000x128xf32, #tpu.memory_space<hbm>>) dst(%arg15 : memref<128x128xf32, #tpu.memory_space<vmem>>)
    "tpu.region"() ({
      %run_scoped3A = tpu.sem_alloc : memref<!tpu.dma_semaphore, #tpu.memory_space<semaphore_mem>>
      %dma_start3A_26 = arith.constant 0 : i32
      %dma_start3A_27 = tpu.memref_slice %arg9[%mul3A_4, %dma_start3A_26] : memref<4096x128xf32, #tpu.memory_space<hbm>> -> memref<128x128xf32, #tpu.memory_space<hbm>>
      %dma_start3A_28 = arith.constant 0 : i32
      %dma_start3A_29 = tpu.memref_slice %arg9[%mul3A_4, %dma_start3A_28] : memref<4096x128xf32, #tpu.memory_space<hbm>> -> memref<128x128xf32, #tpu.memory_space<hbm>>
      tpu.enqueue_dma source(%arg15 : memref<128x128xf32, #tpu.memory_space<vmem>>) target(%dma_start3A_29 : memref<128x128xf32, #tpu.memory_space<hbm>>) target_semaphore(%run_scoped3A : memref<!tpu.dma_semaphore, #tpu.memory_space<semaphore_mem>>)
      %dma_wait3A_30 = arith.constant 0 : i32
      %dma_wait3A_31 = tpu.memref_slice %arg9[%mul3A_4, %dma_wait3A_30] : memref<4096x128xf32, #tpu.memory_space<hbm>> -> memref<128x128xf32, #tpu.memory_space<hbm>>
      %dma_wait3A_32 = arith.constant 0 : i32
      %dma_wait3A_33 = tpu.memref_slice %arg9[%mul3A_4, %dma_wait3A_32] : memref<4096x128xf32, #tpu.memory_space<hbm>> -> memref<128x128xf32, #tpu.memory_space<hbm>>
      tpu.wait_dma2 semaphore(%run_scoped3A : memref<!tpu.dma_semaphore, #tpu.memory_space<semaphore_mem>>) src(%arg15 : memref<128x128xf32, #tpu.memory_space<vmem>>) dst(%dma_wait3A_33 : memref<128x128xf32, #tpu.memory_space<hbm>>)
      tpu.yield
    }) : () -> ()
    "tpu.region"() ({
      %run_scoped3A = tpu.sem_alloc : memref<!tpu.dma_semaphore, #tpu.memory_space<semaphore_mem>>
      %dma_start3A_26 = tpu.memref_slice %arg7[%mul3A_4] : memref<4096xi32, #tpu.memory_space<hbm>> -> memref<128xi32, #tpu.memory_space<hbm>>
      %dma_start3A_27 = tpu.memref_slice %arg7[%mul3A_4] : memref<4096xi32, #tpu.memory_space<hbm>> -> memref<128xi32, #tpu.memory_space<hbm>>
      tpu.enqueue_dma source(%dma_start3A_27 : memref<128xi32, #tpu.memory_space<hbm>>) target(%arg14 : memref<128xi32, #tpu.memory_space<vmem>>) target_semaphore(%run_scoped3A : memref<!tpu.dma_semaphore, #tpu.memory_space<semaphore_mem>>)
      %dma_wait3A_28 = tpu.memref_slice %arg7[%mul3A_4] : memref<4096xi32, #tpu.memory_space<hbm>> -> memref<128xi32, #tpu.memory_space<hbm>>
      %dma_wait3A_29 = tpu.memref_slice %arg7[%mul3A_4] : memref<4096xi32, #tpu.memory_space<hbm>> -> memref<128xi32, #tpu.memory_space<hbm>>
      tpu.wait_dma2 semaphore(%run_scoped3A : memref<!tpu.dma_semaphore, #tpu.memory_space<semaphore_mem>>) src(%dma_wait3A_29 : memref<128xi32, #tpu.memory_space<hbm>>) dst(%arg14 : memref<128xi32, #tpu.memory_space<vmem>>)
      tpu.yield
    }) : () -> ()
    %dma_start3A_14 = arith.constant 0 : i32
    %dma_start3A_15 = arith.constant 0 : i32
    %dma_start3A_16 = tpu.memref_slice %arg2[%dma_start3A_14, %dma_start3A_15] : memref<1000000x128xf32, #tpu.memory_space<hbm>> -> memref<1000000x128xf32, #tpu.memory_space<hbm>>
    tpu.enqueue_indirect_dma source(%dma_start3A_16 : memref<1000000x128xf32, #tpu.memory_space<hbm>>) target(%arg15 : memref<128x128xf32, #tpu.memory_space<vmem>>) offsets(%arg14 : memref<128xi32, #tpu.memory_space<vmem>>) semaphore(%arg16 : memref<!tpu.dma_semaphore, #tpu.memory_space<semaphore_mem>>)
    %dma_wait3A_17 = arith.constant 0 : i32
    %dma_wait3A_18 = arith.constant 0 : i32
    %dma_wait3A_19 = tpu.memref_slice %arg2[%dma_wait3A_17, %dma_wait3A_18] : memref<1000000x128xf32, #tpu.memory_space<hbm>> -> memref<1000000x128xf32, #tpu.memory_space<hbm>>
    tpu.wait_indirect_dma semaphore(%arg16 : memref<!tpu.dma_semaphore, #tpu.memory_space<semaphore_mem>>) src(%dma_wait3A_19 : memref<1000000x128xf32, #tpu.memory_space<hbm>>) dst(%arg15 : memref<128x128xf32, #tpu.memory_space<vmem>>)
    "tpu.region"() ({
      %run_scoped3A = tpu.sem_alloc : memref<!tpu.dma_semaphore, #tpu.memory_space<semaphore_mem>>
      %dma_start3A_26 = arith.constant 0 : i32
      %dma_start3A_27 = tpu.memref_slice %arg10[%mul3A_4, %dma_start3A_26] : memref<4096x128xf32, #tpu.memory_space<hbm>> -> memref<128x128xf32, #tpu.memory_space<hbm>>
      %dma_start3A_28 = arith.constant 0 : i32
      %dma_start3A_29 = tpu.memref_slice %arg10[%mul3A_4, %dma_start3A_28] : memref<4096x128xf32, #tpu.memory_space<hbm>> -> memref<128x128xf32, #tpu.memory_space<hbm>>
      tpu.enqueue_dma source(%arg15 : memref<128x128xf32, #tpu.memory_space<vmem>>) target(%dma_start3A_29 : memref<128x128xf32, #tpu.memory_space<hbm>>) target_semaphore(%run_scoped3A : memref<!tpu.dma_semaphore, #tpu.memory_space<semaphore_mem>>)
      %dma_wait3A_30 = arith.constant 0 : i32
      %dma_wait3A_31 = tpu.memref_slice %arg10[%mul3A_4, %dma_wait3A_30] : memref<4096x128xf32, #tpu.memory_space<hbm>> -> memref<128x128xf32, #tpu.memory_space<hbm>>
      %dma_wait3A_32 = arith.constant 0 : i32
      %dma_wait3A_33 = tpu.memref_slice %arg10[%mul3A_4, %dma_wait3A_32] : memref<4096x128xf32, #tpu.memory_space<hbm>> -> memref<128x128xf32, #tpu.memory_space<hbm>>
      tpu.wait_dma2 semaphore(%run_scoped3A : memref<!tpu.dma_semaphore, #tpu.memory_space<semaphore_mem>>) src(%arg15 : memref<128x128xf32, #tpu.memory_space<vmem>>) dst(%dma_wait3A_33 : memref<128x128xf32, #tpu.memory_space<hbm>>)
      tpu.yield
    }) : () -> ()
    "tpu.region"() ({
      %run_scoped3A = tpu.sem_alloc : memref<!tpu.dma_semaphore, #tpu.memory_space<semaphore_mem>>
      %dma_start3A_26 = tpu.memref_slice %arg6[%mul3A_4] : memref<4096xi32, #tpu.memory_space<hbm>> -> memref<128xi32, #tpu.memory_space<hbm>>
      %dma_start3A_27 = tpu.memref_slice %arg6[%mul3A_4] : memref<4096xi32, #tpu.memory_space<hbm>> -> memref<128xi32, #tpu.memory_space<hbm>>
      tpu.enqueue_dma source(%dma_start3A_27 : memref<128xi32, #tpu.memory_space<hbm>>) target(%arg14 : memref<128xi32, #tpu.memory_space<vmem>>) target_semaphore(%run_scoped3A : memref<!tpu.dma_semaphore, #tpu.memory_space<semaphore_mem>>)
      %dma_wait3A_28 = tpu.memref_slice %arg6[%mul3A_4] : memref<4096xi32, #tpu.memory_space<hbm>> -> memref<128xi32, #tpu.memory_space<hbm>>
      %dma_wait3A_29 = tpu.memref_slice %arg6[%mul3A_4] : memref<4096xi32, #tpu.memory_space<hbm>> -> memref<128xi32, #tpu.memory_space<hbm>>
      tpu.wait_dma2 semaphore(%run_scoped3A : memref<!tpu.dma_semaphore, #tpu.memory_space<semaphore_mem>>) src(%dma_wait3A_29 : memref<128xi32, #tpu.memory_space<hbm>>) dst(%arg14 : memref<128xi32, #tpu.memory_space<vmem>>)
      tpu.yield
    }) : () -> ()
    %dma_start3A_20 = arith.constant 0 : i32
    %dma_start3A_21 = arith.constant 0 : i32
    %dma_start3A_22 = tpu.memref_slice %arg3[%dma_start3A_20, %dma_start3A_21] : memref<1000x128xf32, #tpu.memory_space<hbm>> -> memref<1000x128xf32, #tpu.memory_space<hbm>>
    tpu.enqueue_indirect_dma source(%dma_start3A_22 : memref<1000x128xf32, #tpu.memory_space<hbm>>) target(%arg15 : memref<128x128xf32, #tpu.memory_space<vmem>>) offsets(%arg14 : memref<128xi32, #tpu.memory_space<vmem>>) semaphore(%arg16 : memref<!tpu.dma_semaphore, #tpu.memory_space<semaphore_mem>>)
    %dma_wait3A_23 = arith.constant 0 : i32
    %dma_wait3A_24 = arith.constant 0 : i32
    %dma_wait3A_25 = tpu.memref_slice %arg3[%dma_wait3A_23, %dma_wait3A_24] : memref<1000x128xf32, #tpu.memory_space<hbm>> -> memref<1000x128xf32, #tpu.memory_space<hbm>>
    tpu.wait_indirect_dma semaphore(%arg16 : memref<!tpu.dma_semaphore, #tpu.memory_space<semaphore_mem>>) src(%dma_wait3A_25 : memref<1000x128xf32, #tpu.memory_space<hbm>>) dst(%arg15 : memref<128x128xf32, #tpu.memory_space<vmem>>)
    "tpu.region"() ({
      %run_scoped3A = tpu.sem_alloc : memref<!tpu.dma_semaphore, #tpu.memory_space<semaphore_mem>>
      %dma_start3A_26 = arith.constant 0 : i32
      %dma_start3A_27 = tpu.memref_slice %arg11[%mul3A_4, %dma_start3A_26] : memref<4096x128xf32, #tpu.memory_space<hbm>> -> memref<128x128xf32, #tpu.memory_space<hbm>>
      %dma_start3A_28 = arith.constant 0 : i32
      %dma_start3A_29 = tpu.memref_slice %arg11[%mul3A_4, %dma_start3A_28] : memref<4096x128xf32, #tpu.memory_space<hbm>> -> memref<128x128xf32, #tpu.memory_space<hbm>>
      tpu.enqueue_dma source(%arg15 : memref<128x128xf32, #tpu.memory_space<vmem>>) target(%dma_start3A_29 : memref<128x128xf32, #tpu.memory_space<hbm>>) target_semaphore(%run_scoped3A : memref<!tpu.dma_semaphore, #tpu.memory_space<semaphore_mem>>)
      %dma_wait3A_30 = arith.constant 0 : i32
      %dma_wait3A_31 = tpu.memref_slice %arg11[%mul3A_4, %dma_wait3A_30] : memref<4096x128xf32, #tpu.memory_space<hbm>> -> memref<128x128xf32, #tpu.memory_space<hbm>>
      %dma_wait3A_32 = arith.constant 0 : i32
      %dma_wait3A_33 = tpu.memref_slice %arg11[%mul3A_4, %dma_wait3A_32] : memref<4096x128xf32, #tpu.memory_space<hbm>> -> memref<128x128xf32, #tpu.memory_space<hbm>>
      tpu.wait_dma2 semaphore(%run_scoped3A : memref<!tpu.dma_semaphore, #tpu.memory_space<semaphore_mem>>) src(%arg15 : memref<128x128xf32, #tpu.memory_space<vmem>>) dst(%dma_wait3A_33 : memref<128x128xf32, #tpu.memory_space<hbm>>)
      tpu.yield
    }) : () -> ()
    return
  }
}

module attributes {stable_mosaic.version = 14 : i64} {
  func.func @_score_body(%arg0: i32, %arg1: memref<8x256x128xf32, #tpu.memory_space<vmem>>, %arg2: memref<8x128xf32, #tpu.memory_space<vmem>>, %arg3: memref<8x128xf32, #tpu.memory_space<vmem>>, %arg4: memref<8x64xf32, #tpu.memory_space<vmem>>, %arg5: memref<1x1xf32, #tpu.memory_space<smem>>, %arg6: memref<8x1xf32, #tpu.memory_space<vmem>>, %arg7: memref<8x256xf32, #tpu.memory_space<vmem>>) attributes {dimension_semantics = [#tpu.dimension_semantics<arbitrary>], iteration_bounds = array<i64: 512>, scalar_prefetch = 0 : i64, scratch_operands = 0 : i64, tpu.core_type = #tpu.core_type<tc>, window_params = [{transform_indices = @transform_0, window_bounds = array<i64: 8, 256, 128>}, {transform_indices = @transform_1, window_bounds = array<i64: 8, 128>}, {transform_indices = @transform_2, window_bounds = array<i64: 8, 128>}, {transform_indices = @transform_3, window_bounds = array<i64: 8, 64>}, {transform_indices = @transform_4, window_bounds = array<i64: 1, 1>}, {transform_indices = @transform_5, window_bounds = array<i64: 8, 1>}, {transform_indices = @transform_6, window_bounds = array<i64: 8, 256>}]} {
    %get3A = arith.constant 0 : index
    %get3A_0 = arith.constant 0 : index
    %get3A_1 = vector.load %arg2[%get3A, %get3A_0] : memref<8x128xf32, #tpu.memory_space<vmem>>, vector<8x128xf32>
    %get3A_2 = arith.constant 0 : index
    %get3A_3 = arith.constant 0 : index
    %get3A_4 = vector.load %arg3[%get3A_2, %get3A_3] : memref<8x128xf32, #tpu.memory_space<vmem>>, vector<8x128xf32>
    %get3A_5 = arith.constant 0 : index
    %get3A_6 = arith.constant 0 : index
    %get3A_7 = vector.load %arg4[%get3A_5, %get3A_6] : memref<8x64xf32, #tpu.memory_space<vmem>>, vector<8x64xf32>
    %get3A_8 = arith.constant 0 : index
    %get3A_9 = arith.constant 0 : index
    %get3A_10 = arith.constant 0 : index
    %get3A_11 = vector.load %arg1[%get3A_8, %get3A_9, %get3A_10] : memref<8x256x128xf32, #tpu.memory_space<vmem>>, vector<8x256x128xf32>
    %slice3A = vector.extract_strided_slice %get3A_1 {offsets = [0, 0], sizes = [8, 64], strides = [1, 1]} : vector<8x128xf32> to vector<8x64xf32>
    %mul3A = arith.mulf %slice3A, %slice3A : vector<8x64xf32>
    %reduce_sum3A = arith.constant dense<0.000000e+00> : vector<8xf32>
    %reduce_sum3A_12 = vector.multi_reduction <add>, %mul3A, %reduce_sum3A [1] : vector<8x64xf32> to vector<8xf32>
    %broadcast_in_dim3A = vector.shape_cast %reduce_sum3A_12 : vector<8xf32> to vector<8x1xf32>
    %rsqrt3A = math.rsqrt %broadcast_in_dim3A : vector<8x1xf32>
    %mul3A_13 = vector.broadcast %rsqrt3A : vector<8x1xf32> to vector<8x64xf32>
    %mul3A_14 = arith.mulf %slice3A, %mul3A_13 : vector<8x64xf32>
    %slice3A_15 = vector.extract_strided_slice %get3A_1 {offsets = [0, 64], sizes = [8, 64], strides = [1, 1]} : vector<8x128xf32> to vector<8x64xf32>
    %mul3A_16 = arith.mulf %slice3A_15, %slice3A_15 : vector<8x64xf32>
    %reduce_sum3A_17 = arith.constant dense<0.000000e+00> : vector<8xf32>
    %reduce_sum3A_18 = vector.multi_reduction <add>, %mul3A_16, %reduce_sum3A_17 [1] : vector<8x64xf32> to vector<8xf32>
    %broadcast_in_dim3A_19 = vector.shape_cast %reduce_sum3A_18 : vector<8xf32> to vector<8x1xf32>
    %rsqrt3A_20 = math.rsqrt %broadcast_in_dim3A_19 : vector<8x1xf32>
    %mul3A_21 = vector.broadcast %rsqrt3A_20 : vector<8x1xf32> to vector<8x64xf32>
    %mul3A_22 = arith.mulf %slice3A_15, %mul3A_21 : vector<8x64xf32>
    %add3A = arith.constant 1.000000e+00 : f32
    %add3A_23 = vector.broadcast %add3A : f32 to vector<8x64xf32>
    %add3A_24 = arith.addf %mul3A_22, %add3A_23 : vector<8x64xf32>
    %slice3A_25 = vector.extract_strided_slice %get3A_4 {offsets = [0, 0], sizes = [8, 64], strides = [1, 1]} : vector<8x128xf32> to vector<8x64xf32>
    %mul3A_26 = arith.mulf %slice3A_25, %slice3A_25 : vector<8x64xf32>
    %reduce_sum3A_27 = arith.constant dense<0.000000e+00> : vector<8xf32>
    %reduce_sum3A_28 = vector.multi_reduction <add>, %mul3A_26, %reduce_sum3A_27 [1] : vector<8x64xf32> to vector<8xf32>
    %broadcast_in_dim3A_29 = vector.shape_cast %reduce_sum3A_28 : vector<8xf32> to vector<8x1xf32>
    %rsqrt3A_30 = math.rsqrt %broadcast_in_dim3A_29 : vector<8x1xf32>
    %mul3A_31 = vector.broadcast %rsqrt3A_30 : vector<8x1xf32> to vector<8x64xf32>
    %mul3A_32 = arith.mulf %slice3A_25, %mul3A_31 : vector<8x64xf32>
    %slice3A_33 = vector.extract_strided_slice %get3A_4 {offsets = [0, 64], sizes = [8, 64], strides = [1, 1]} : vector<8x128xf32> to vector<8x64xf32>
    %mul3A_34 = arith.mulf %slice3A_33, %slice3A_33 : vector<8x64xf32>
    %reduce_sum3A_35 = arith.constant dense<0.000000e+00> : vector<8xf32>
    %reduce_sum3A_36 = vector.multi_reduction <add>, %mul3A_34, %reduce_sum3A_35 [1] : vector<8x64xf32> to vector<8xf32>
    %broadcast_in_dim3A_37 = vector.shape_cast %reduce_sum3A_36 : vector<8xf32> to vector<8x1xf32>
    %rsqrt3A_38 = math.rsqrt %broadcast_in_dim3A_37 : vector<8x1xf32>
    %mul3A_39 = vector.broadcast %rsqrt3A_38 : vector<8x1xf32> to vector<8x64xf32>
    %mul3A_40 = arith.mulf %slice3A_33, %mul3A_39 : vector<8x64xf32>
    %add3A_41 = arith.constant 1.000000e+00 : f32
    %add3A_42 = vector.broadcast %add3A_41 : f32 to vector<8x64xf32>
    %add3A_43 = arith.addf %mul3A_40, %add3A_42 : vector<8x64xf32>
    %mul3A_44 = arith.mulf %mul3A_14, %add3A_43 : vector<8x64xf32>
    %mul3A_45 = arith.mulf %mul3A_32, %add3A_24 : vector<8x64xf32>
    %sub3A = arith.subf %mul3A_44, %mul3A_45 : vector<8x64xf32>
    %add3A_46 = arith.addf %sub3A, %get3A_7 : vector<8x64xf32>
    %abs3A = math.absf %add3A_46 : vector<8x64xf32>
    %reduce_sum3A_47 = arith.constant dense<0.000000e+00> : vector<8xf32>
    %reduce_sum3A_48 = vector.multi_reduction <add>, %abs3A, %reduce_sum3A_47 [1] : vector<8x64xf32> to vector<8xf32>
    %broadcast_in_dim3A_49 = vector.shape_cast %reduce_sum3A_48 : vector<8xf32> to vector<8x1xf32>
    %sub3A_50 = arith.constant 1.200000e+01 : f32
    %sub3A_51 = vector.broadcast %sub3A_50 : f32 to vector<8x1xf32>
    %sub3A_52 = arith.subf %sub3A_51, %broadcast_in_dim3A_49 : vector<8x1xf32>
    %swap3A = arith.constant 0 : index
    %swap3A_53 = arith.constant 0 : index
    %swap3A_54 = vector.load %arg6[%swap3A, %swap3A_53] : memref<8x1xf32, #tpu.memory_space<vmem>>, vector<8x1xf32>
    tpu.vector_store %arg6[%swap3A, %swap3A_53], %sub3A_52 {strides = array<i32>} : memref<8x1xf32, #tpu.memory_space<vmem>>, vector<8x1xf32>,
    %slice3A_55 = vector.extract_strided_slice %get3A_11 {offsets = [0, 0, 0], sizes = [8, 256, 64], strides = [1, 1, 1]} : vector<8x256x128xf32> to vector<8x256x64xf32>
    %mul3A_56 = arith.mulf %slice3A_55, %slice3A_55 : vector<8x256x64xf32>
    %reduce_sum3A_57 = arith.constant dense<0.000000e+00> : vector<8x256xf32>
    %reduce_sum3A_58 = vector.multi_reduction <add>, %mul3A_56, %reduce_sum3A_57 [2] : vector<8x256x64xf32> to vector<8x256xf32>
    %broadcast_in_dim3A_59 = vector.shape_cast %reduce_sum3A_58 : vector<8x256xf32> to vector<8x256x1xf32>
    %rsqrt3A_60 = math.rsqrt %broadcast_in_dim3A_59 : vector<8x256x1xf32>
    %mul3A_61 = vector.broadcast %rsqrt3A_60 : vector<8x256x1xf32> to vector<8x256x64xf32>
    %mul3A_62 = arith.mulf %slice3A_55, %mul3A_61 : vector<8x256x64xf32>
    %slice3A_63 = vector.extract_strided_slice %get3A_11 {offsets = [0, 0, 64], sizes = [8, 256, 64], strides = [1, 1, 1]} : vector<8x256x128xf32> to vector<8x256x64xf32>
    %mul3A_64 = arith.mulf %slice3A_63, %slice3A_63 : vector<8x256x64xf32>
    %reduce_sum3A_65 = arith.constant dense<0.000000e+00> : vector<8x256xf32>
    %reduce_sum3A_66 = vector.multi_reduction <add>, %mul3A_64, %reduce_sum3A_65 [2] : vector<8x256x64xf32> to vector<8x256xf32>
    %broadcast_in_dim3A_67 = vector.shape_cast %reduce_sum3A_66 : vector<8x256xf32> to vector<8x256x1xf32>
    %rsqrt3A_68 = math.rsqrt %broadcast_in_dim3A_67 : vector<8x256x1xf32>
    %mul3A_69 = vector.broadcast %rsqrt3A_68 : vector<8x256x1xf32> to vector<8x256x64xf32>
    %mul3A_70 = arith.mulf %slice3A_63, %mul3A_69 : vector<8x256x64xf32>
    %add3A_71 = arith.constant 1.000000e+00 : f32
    %add3A_72 = vector.broadcast %add3A_71 : f32 to vector<8x256x64xf32>
    %add3A_73 = arith.addf %mul3A_70, %add3A_72 : vector<8x256x64xf32>
    %broadcast_in_dim3A_74 = vector.shape_cast %get3A_7 : vector<8x64xf32> to vector<8x1x64xf32>
    %broadcast_in_dim3A_75 = vector.shape_cast %mul3A_14 : vector<8x64xf32> to vector<8x1x64xf32>
    %mul3A_76 = vector.broadcast %broadcast_in_dim3A_75 : vector<8x1x64xf32> to vector<8x256x64xf32>
    %mul3A_77 = arith.mulf %mul3A_76, %add3A_73 : vector<8x256x64xf32>
    %broadcast_in_dim3A_78 = vector.shape_cast %add3A_24 : vector<8x64xf32> to vector<8x1x64xf32>
    %mul3A_79 = vector.broadcast %broadcast_in_dim3A_78 : vector<8x1x64xf32> to vector<8x256x64xf32>
    %mul3A_80 = arith.mulf %mul3A_62, %mul3A_79 : vector<8x256x64xf32>
    %sub3A_81 = arith.subf %mul3A_77, %mul3A_80 : vector<8x256x64xf32>
    %add3A_82 = vector.broadcast %broadcast_in_dim3A_74 : vector<8x1x64xf32> to vector<8x256x64xf32>
    %add3A_83 = arith.addf %sub3A_81, %add3A_82 : vector<8x256x64xf32>
    %abs3A_84 = math.absf %add3A_83 : vector<8x256x64xf32>
    %reduce_sum3A_85 = arith.constant dense<0.000000e+00> : vector<8x256xf32>
    %reduce_sum3A_86 = vector.multi_reduction <add>, %abs3A_84, %reduce_sum3A_85 [2] : vector<8x256x64xf32> to vector<8x256xf32>
    %sub3A_87 = arith.constant 1.200000e+01 : f32
    %sub3A_88 = vector.broadcast %sub3A_87 : f32 to vector<8x256xf32>
    %sub3A_89 = arith.subf %sub3A_88, %reduce_sum3A_86 : vector<8x256xf32>
    %broadcast_in_dim3A_90 = vector.shape_cast %add3A_43 : vector<8x64xf32> to vector<8x1x64xf32>
    %mul3A_91 = vector.broadcast %broadcast_in_dim3A_90 : vector<8x1x64xf32> to vector<8x256x64xf32>
    %mul3A_92 = arith.mulf %mul3A_62, %mul3A_91 : vector<8x256x64xf32>
    %broadcast_in_dim3A_93 = vector.shape_cast %mul3A_32 : vector<8x64xf32> to vector<8x1x64xf32>
    %mul3A_94 = vector.broadcast %broadcast_in_dim3A_93 : vector<8x1x64xf32> to vector<8x256x64xf32>
    %mul3A_95 = arith.mulf %mul3A_94, %add3A_73 : vector<8x256x64xf32>
    %sub3A_96 = arith.subf %mul3A_92, %mul3A_95 : vector<8x256x64xf32>
    %add3A_97 = vector.broadcast %broadcast_in_dim3A_74 : vector<8x1x64xf32> to vector<8x256x64xf32>
    %add3A_98 = arith.addf %sub3A_96, %add3A_97 : vector<8x256x64xf32>
    %abs3A_99 = math.absf %add3A_98 : vector<8x256x64xf32>
    %reduce_sum3A_100 = arith.constant dense<0.000000e+00> : vector<8x256xf32>
    %reduce_sum3A_101 = vector.multi_reduction <add>, %abs3A_99, %reduce_sum3A_100 [2] : vector<8x256x64xf32> to vector<8x256xf32>
    %sub3A_102 = arith.constant 1.200000e+01 : f32
    %sub3A_103 = vector.broadcast %sub3A_102 : f32 to vector<8x256xf32>
    %sub3A_104 = arith.subf %sub3A_103, %reduce_sum3A_101 : vector<8x256xf32>
    %get3A_105 = arith.constant 0 : index
    %get3A_106 = arith.constant 0 : index
    %get3A_107 = memref.load %arg5[%get3A_105, %get3A_106] : memref<1x1xf32, #tpu.memory_space<smem>>
    %mul3A_108 = vector.broadcast %get3A_107 : f32 to vector<8x256xf32>
    %mul3A_109 = arith.mulf %sub3A_104, %mul3A_108 : vector<8x256xf32>
    %sub3A_110 = arith.constant 1.000000e+00 : f32
    %sub3A_111 = arith.subf %sub3A_110, %get3A_107 : f32
    %mul3A_112 = vector.broadcast %sub3A_111 : f32 to vector<8x256xf32>
    %mul3A_113 = arith.mulf %sub3A_89, %mul3A_112 : vector<8x256xf32>
    %add3A_114 = arith.addf %mul3A_109, %mul3A_113 : vector<8x256xf32>
    %swap3A_115 = arith.constant 0 : index
    %swap3A_116 = arith.constant 0 : index
    %swap3A_117 = vector.load %arg7[%swap3A_115, %swap3A_116] : memref<8x256xf32, #tpu.memory_space<vmem>>, vector<8x256xf32>
    tpu.vector_store %arg7[%swap3A_115, %swap3A_116], %add3A_114 {strides = array<i32>} : memref<8x256xf32, #tpu.memory_space<vmem>>, vector<8x256xf32>,
    return
  }
  func.func @transform_0(%arg0: i32) -> (i32, i32, i32) {
    %c0_i32 = arith.constant 0 : i32
    %c0_i32_0 = arith.constant 0 : i32
    %c0_i32_1 = arith.constant 0 : i32
    return %arg0, %c0_i32, %c0_i32_0 : i32, i32, i32
  }
  func.func @transform_1(%arg0: i32) -> (i32, i32) {
    %c0_i32 = arith.constant 0 : i32
    %c0_i32_0 = arith.constant 0 : i32
    return %arg0, %c0_i32 : i32, i32
  }
  func.func @transform_2(%arg0: i32) -> (i32, i32) {
    %c0_i32 = arith.constant 0 : i32
    %c0_i32_0 = arith.constant 0 : i32
    return %arg0, %c0_i32 : i32, i32
  }
  func.func @transform_3(%arg0: i32) -> (i32, i32) {
    %c0_i32 = arith.constant 0 : i32
    %c0_i32_0 = arith.constant 0 : i32
    return %arg0, %c0_i32 : i32, i32
  }
  func.func @transform_4(%arg0: i32) -> (i32, i32) {
    %c0_i32 = arith.constant 0 : i32
    %c0_i32_0 = arith.constant 0 : i32
    %c0_i32_1 = arith.constant 0 : i32
    return %c0_i32, %c0_i32_0 : i32, i32
  }
  func.func @transform_5(%arg0: i32) -> (i32, i32) {
    %c0_i32 = arith.constant 0 : i32
    %c0_i32_0 = arith.constant 0 : i32
    return %arg0, %c0_i32 : i32, i32
  }
  func.func @transform_6(%arg0: i32) -> (i32, i32) {
    %c0_i32 = arith.constant 0 : i32
    %c0_i32_0 = arith.constant 0 : i32
    return %arg0, %c0_i32 : i32, i32
  }
}

</mosaic_0001>

<sc_bundles>
// kernel: kernel.4.cloned.1.call-start
scs
__scs_entry_jumppad:
0x0: {  	(pc) =	sbr.rel $0x88, $3  }
0x1: {  	(tag) =	ssettag $0x0;
	lr =	simm.s32 $0x1  }
0x2: {  	[smem:$0x3F9C] =	sst lr;
	_ =	strace $0xD0000000  }
0x3: {  	_ = 	snop  }
0x4: {  	_ = 	snop  }
0x5: {  	_ = 	snop  }
0x6: {  	_ = 	snop  }
0x7: {  	_ = 	snop  }
__scs_overlays_trampoline_lowered:
0x8: {  	[smem:$0x3FAB] =	sst s0  }
0x9: {  	[smem:$0x3FAC] =	sst s1  }
0xa: {  	[smem:$0x3FAD] =	sst s2  }
0xb: {  	[smem:$0x3FAE] =	sst s3  }
0xc: {  	[smem:$0x3FAF] =	sst s4  }
0xd: {  	[smem:$0x3FB0] =	sst s5  }
0xe: {  	[smem:$0x3FB1] =	sst s6  }
0xf: {  	[smem:$0x3FB2] =	sst s7  }
0x10: {  	[smem:$0x3FB3] =	sst s8  }
0x11: {  	[smem:$0x3FB4] =	sst s9;
	s0 =	simm.s32 @!p0 $0x0  }
0x12: {  	s1 =	sld [smem:$0x3F9A];
	s0 =	simm.s32 @p0 $0x1  }
0x13: {  	[smem:$0x3FB5] =	sst s0;
	s0 =	simm.s32 @!p1 $0x0  }
0x14: {  	s2 =	sld [smem:$0x3F99];
	s0 =	simm.s32 @p1 $0x1  }
0x15: {  	[smem:$0x3FB6] =	sst s0;
	s0 =	simm.s32 @!p2 $0x0  }
0x16: {  	s3 =	sld [smem:$0x3FDB];
	s0 =	simm.s32 @p2 $0x1  }
0x17: {  	s4 =	simm.s32 $0x1BF5;
	[smem:$0x3FB8] =	sst s0  }
0x18: {  	s0 =	sld [smem:$0x3F9B];
	_ =	swait.ge [sflag:s4], $0x0  }
0x19: {  	s7 =	sld [smem:$0x3F9C]  }
0x1a: {  	s8 =	sadd.s32 $0xFFFFE003, lr  }
0x1b: {  	s9 =	sadd.s32 $0xFFFFFEF7, lr;
	s5 =	simm.s32 $0xFFFFFFFF;
	p2 =	slt.u32 s8, $0xFFFFF086  }
0x1c: {  	p1 =	slt.u32 s9, $0xF7A;
	s5 =	simm.s32 @!p2 $0x0  }
0x1d: {  	s5 =	simm.s32 @p1 $0x1;
	p0 =	seq.s32 s7, s2  }
0x1e: {  	s7 =	smul.u32 @!p0 $0xF7A, s2;
	p2 =	seq.s32 @!p0 s5, $0x0  }
0x1f: {  	s9 =	smul.u32 $0xF7A, s1;
	s8 =	simm.s32 @!p0 $0x1BF5;
	p2 =	por !p2, p0  }
0x20: {  	[sflag:s8] =	ssyncset.s32 @!p0 $0xFFFFF086;
	s6 =	sadd.s32 @!p0 s3, s7;
	s7 =	simm.s32 @!p0 $0x108  }
0x21: {  	s3 =	sadd.s32 s3, s9;
	s6 =	sadd.s32 @!p0 $0x88, s6;
	s7 =	simm.s32 @p2 $0x1082  }
0x22: {  	[simem:s7], [sflag:s8] =	dma.local @!p0 [hbm:s6], $0xF7A  }
0x23: {  	s9 =	sor.u32 $0xD0000000, s2;
	s6 =	simm.s32 $0x108;
	_ =	swait.ge @!p0 [sflag:s8], $0x0  }
0x24: {  	s3 =	sadd.s32 $0x88, s3;
	s6 =	simm.s32 @!p1 $0x1082;
	[sflag:s4] =	ssyncset.s32 $0xFFFFF086  }
0x25: {  	[simem:s6], [sflag:s4] =	dma.local [hbm:s3], $0xF7A  }
0x26: {  	[smem:$0x3F9C] =	sst s1;
	(tag) =	ssettag s2;
	_ =	strace s9  }
0x27: {  	s1 =	sld [smem:$0x3FAC]  }
0x28: {  	s2 =	sld [smem:$0x3FAD]  }
0x29: {  	s4 =	sld [smem:$0x3FAF]  }
0x2a: {  	p0 =	seq.s32 s5, $0x0;
	s5 =	sld [smem:$0x3FB0]  }
0x2b: {  	s6 =	sld [smem:$0x3FB1]  }
0x2c: {  	s7 =	sld [smem:$0x3FB2]  }
0x2d: {  	s3 =	simm.s32 $0x108;
	s8 =	sld [smem:$0x3FB3]  }
0x2e: {  	s3 =	simm.s32 @!p0 $0x1082;
	s9 =	sld [smem:$0x3FB4]  }
0x2f: {  	lr =	sadd.s32 s0, s3;
	s0 =	sld [smem:$0x3FAB]  }
0x30: {  	s3 =	sld [smem:$0x3FAE]  }
0x31: {  	[smem:$0x3FB7] =	sst s10  }
0x32: {  	s10 =	sld [smem:$0x3FB5];
	_ =	sdelay $0x3  }
0x33: {  	p0 =	seq.s32 s10, $0x1;
	s10 =	sld [smem:$0x3FB7];
	_ =	sdelay $0x3  }
0x34: {  	[smem:$0x3FB7] =	sst s10  }
0x35: {  	s10 =	sld [smem:$0x3FB6];
	_ =	sdelay $0x3  }
0x36: {  	p1 =	seq.s32 s10, $0x1;
	s10 =	sld [smem:$0x3FB7];
	_ =	sdelay $0x3  }
0x37: {  	[smem:$0x3FB7] =	sst s10  }
0x38: {  	s10 =	sld [smem:$0x3FB8]  }
0x39: {  	_ = 	snop;
	(pc) =	sbr.ind lr, $3  }
0x3a: {  	_ = 	snop  }
0x3b: {  	_ = 	snop  }
0x3c: {  	p2 =	seq.s32 s10, $0x1;
	s10 =	sld [smem:$0x3FB7]  }
0x3d: {  	_ =	shalt  }
0x3e: {  	_ =	shalt  }
0x3f: {  	_ =	shalt  }
0x40: {  	_ =	shalt  }
0x41: {  	_ =	shalt  }
0x42: {  	_ =	shalt  }
0x43: {  	_ =	shalt  }
0x44: {  	_ =	shalt  }
0x45: {  	_ =	shalt  }
0x46: {  	_ =	shalt  }
0x47: {  	_ =	shalt  }
0x48: {  	_ =	shalt  }
0x49: {  	_ =	shalt  }
0x4a: {  	_ =	shalt  }
0x4b: {  	_ =	shalt  }
0x4c: {  	_ =	shalt  }
0x4d: {  	_ =	shalt  }
0x4e: {  	_ =	shalt  }
0x4f: {  	_ =	shalt  }
0x50: {  	_ =	shalt  }
0x51: {  	_ =	shalt  }
0x52: {  	_ =	shalt  }
0x53: {  	_ =	shalt  }
0x54: {  	_ =	shalt  }
0x55: {  	_ =	shalt  }
0x56: {  	_ =	shalt  }
0x57: {  	_ =	shalt  }
0x58: {  	_ =	shalt  }
0x59: {  	_ =	shalt  }
0x5a: {  	_ =	shalt  }
0x5b: {  	_ =	shalt  }
0x5c: {  	_ =	shalt  }
0x5d: {  	_ =	shalt  }
0x5e: {  	_ =	shalt  }
0x5f: {  	_ =	shalt  }
0x60: {  	_ =	shalt  }
0x61: {  	_ =	shalt  }
0x62: {  	_ =	shalt  }
0x63: {  	_ =	shalt  }
0x64: {  	_ =	shalt  }
0x65: {  	_ =	shalt  }
0x66: {  	_ =	shalt  }
0x67: {  	_ =	shalt  }
0x68: {  	_ =	shalt  }
0x69: {  	_ =	shalt  }
0x6a: {  	_ =	shalt  }
0x6b: {  	_ =	shalt  }
0x6c: {  	_ =	shalt  }
0x6d: {  	_ =	shalt  }
0x6e: {  	_ =	shalt  }
0x6f: {  	_ =	shalt  }
0x70: {  	_ =	shalt  }
0x71: {  	_ =	shalt  }
0x72: {  	_ =	shalt  }
0x73: {  	_ =	shalt  }
0x74: {  	_ =	shalt  }
0x75: {  	_ =	shalt  }
0x76: {  	_ =	shalt  }
0x77: {  	_ =	shalt  }
0x78: {  	_ =	shalt  }
0x79: {  	_ =	shalt  }
0x7a: {  	_ =	shalt  }
0x7b: {  	_ =	shalt  }
0x7c: {  	_ =	shalt  }
0x7d: {  	_ =	shalt  }
0x7e: {  	_ =	shalt  }
0x7f: {  	_ =	shalt  }
0x80: {  	_ =	shalt  }
0x81: {  	_ =	shalt  }
0x82: {  	_ =	shalt  }
0x83: {  	_ =	shalt  }
0x84: {  	_ =	shalt  }
0x85: {  	_ =	shalt  }
0x86: {  	_ =	shalt  }
0x87: {  	_ =	shalt  }
.Lfunc_end0:
.L_simem_size_0:
called_computation_lowered:
.L_overlay_start_0:
0x88: {  	s2 =	sld [smem:$0x3FD9]  }
0x89: {  	s3 =	sld [smem:$0x3FFE];
	_ =	sdelay $0x1  }
0x8a: {  	s1 =	srdreg.scid  }
0x8b: {  	s0 =	sand.u32 $0x1, s1  }
0x8c: {  	s14 =	sshll.u32 s0, $0xA;
	s2 =	sadd.s32 s3, s2  }
0x8d: {  	s2 =	sadd.s32 s2, s14  }
0x8e: {  	[smem:$0x3FC3] =	sst s2  }
0x8f: {  	_ = 	snop  }
0x90: {  	s2 =	sld [smem:$0x3FD0];
	_ =	sdelay $0x2  }
0x91: {  	s4 =	simm.s32 $0xA;
	s5 =	simm.s32 $0x10;
	s15 =	sld [smem:$0x3FC9]  }
0x92: {  	[smem:s5], [sflag:s4] =	dma.local [hbm:s2], $0x1  }
0x93: {  	_ =	swait.eq [sflag:s4], $0x1  }
0x94: {  	[sflag:s4] =	ssyncset.done $0x0  }
0x95: {  	s16 =	sld [smem:$0x10];
	[sflag:s4] =	ssyncadd.s32 $0xFFFFFFFF  }
0x96: {  	s17 =	sld [smem:$0x11];
	(tm) =	ssettm $0x1  }
0x97: {  	s18 =	sld [smem:$0x3FFB];
	_ =	sdelay $0x3  }
0x98: {  	_ =	strace s18  }
0x99: {  	s5 =	sld [smem:$0x3FFC];
	_ =	sdelay $0x3  }
0x9a: {  	_ =	strace s5  }
0x9b: {  	s5 =	sld [smem:$0x3FFD];
	_ =	sdelay $0x3  }
0x9c: {  	_ =	strace s5  }
0x9d: {  	_ =	strace $0x8FFFFFFF  }
0x9e: {  	s19 =	sld [smem:$0x3FDB];
	_ =	sdelay $0x1  }
0x9f: {  	s6 =	simm.s32 $_scs_section_size  }
0xa0: {  	s7 =	simm.s32 $_size__tile_overlayer_lowered;
	s8 =	simm.s32 $_tile_overlayer_lowered  }
0xa1: {  	s22 =	simm.s32 $0x1BFF;
	s21 =	sshll.u32 s8, $0x1;
	s5 =	sadd.s32 s6, s19  }
0xa2: {  	s9 =	simm.s32 $0x0;
	s20 =	sshll.u32 s7, $0x1;
	s7 =	sadd.s32 s21, s5  }
0xa3: {  	[timem:s9], [sflag:s22] =	dma.local [hbm:s7], s20  }
0xa4: {  	_ =	swait.ge [sflag:s22], s20  }
0xa5: {  	s6 =	ssub.s32 $0x0, s20;
	[sflag:s22] =	ssyncset.done $0x0  }
0xa6: {  	[sflag:s22] =	ssyncadd.s32 s6;
	_ =	sdelay $0x1  }
0xa7: {  	s23 =	simm.s32 $0x1B8B  }
0xa8: {  	_ =	swait.ge [sflag:s23], $0x1  }
0xa9: {  	[sflag:s23] =	ssyncset.done $0x0  }
0xaa: {  	s25 =	simm.s32 $0x1B8E;
	s24 =	sld [smem:$0x3FFE];
	[sflag:s23] =	ssyncadd.s32 $0xFFFFFFFF  }
0xab: {  	s26 =	simm.s32 $execute0_lowered;
	[smem:$0x3FD2] =	sst s25  }
0xac: {  	s7 =	sshll.u32 s26, $0x1;
	_ =	strace $0x80000046;
	[dreg:$0x1] =	wrdreg $0xFFFFFFFF  }
0xad: {  	s28 =	simm.s32 $_size_execute0_lowered;
	s5 =	sadd.s32 s5, s7;
	[dreg:$0x0] =	wrdreg $0x0  }
0xae: {  	s7 =	sshll.u32 s28, $0x1;
	[dreg:$0x2] =	wrdreg s5  }
0xaf: {  	[dreg:$0x3] =	wrdreg s7  }
0xb0: {  	[dreg:$0x4] =	wrdreg $0xC0  }
0xb1: {  	_ =	task [dreg:s9], $0x5FFFF  }
0xb2: {  	[dreg:$0x1] =	wrdreg $0xFFFFFFFF  }
0xb3: {  	[dreg:$0x0] =	wrdreg $0x60  }
0xb4: {  	[dreg:$0x2] =	wrdreg s15  }
0xb5: {  	[dreg:$0x3] =	wrdreg s24  }
0xb6: {  	[dreg:$0x4] =	wrdreg s17  }
0xb7: {  	[dreg:$0x5] =	wrdreg s16  }
0xb8: {  	[dreg:$0x6] =	wrdreg $0x9  }
0xb9: {  	_ =	task.clear_ibuf [dreg:s9], $0x7FFFF;
	_ =	strace $0x90000046  }
0xba: {  	s29 =	simm.s32 $0x9;
	_ =	strace $0x80000048  }
0xbb: {  	_ =	swait.ge [sflag:s29], $0x1  }
0xbc: {  	[sflag:s29] =	ssyncadd.s32 $0xFFFFFFFF  }
0xbd: {  	_ =	strace $0x90000048  }
0xbe: {  	_ =	sfence  }
0xbf: {  	s30 =	sld [smem:$0x0];
	_ =	sdelay $0x2  }
0xc0: {  	s31 =	sshll.u32 s1, $0xD;
	s1 =	sshrl.u32 s1, $0x2  }
0xc1: {  	s3 =	sand.u32 $0x4000, s31;
	s1 =	sadd.s32 s1, s30  }
0xc2: {  	s0 =	sor.u32 s3, s0;
	s1 =	sshll.u32 s1, $0x11  }
0xc3: {  	s0 =	sor.u32 s1, s0  }
0xc4: {  	s0 =	sadd.s32 $0x8F2B, s0  }
0xc5: {  	[sflag:s0] =	ssyncadd.remote.s32 $0x1  }
0xc6: {  	_ =	sfence.sel $0xFFFF  }
0xc7: {  	[dreg:$0x0] =	wrdreg $0xFFFFFFFF;
	(pc) =	sbr.abs _section_cstart, $3  }
0xc8: {  	[dreg:$0x1] =	wrdreg $0xFFFFFFFF  }
0xc9: {  	_ =	task.clear_ibuf [dreg:s9], $0x2FFFF;
	_ =	strace $0x9FFFFFFF  }
0xca: {  	(tm) =	ssettm $0x7FFFFFFF  }
0xcb: {  	_ =	shalt  }
tec
execute0_lowered:
.L_overlay_start_1:
0x0: {  	(tag) =	ssettag $0x1  }
0x1: {  	s1 =	rddreg [dreg:$0x0]  }
0x2: {  	s5 =	rddreg [dreg:$0x1]  }
0x3: {  	s6 =	rddreg [dreg:$0x2]  }
0x4: {  	s8 =	rddreg [dreg:$0x3]  }
0x5: {  	s0 =	rddreg [dreg:$0x4];
	s4 =	srdreg.scid  }
0x6: {  	s2 =	stileid.u32;
	s3 =	simm.s32 $0x0;
	s16 =	simm.s32 $0x8000  }
0x7: {  	s17 =	simm.s32 $0x1;
	s18 =	simm.s32 $0xC000;
	s19 =	simm.s32 $0xC080  }
0x8: {  	s20 =	simm.s32 $0x0;
	s10 =	sand.u32 $0x1, s4;
	s28 =	sshll.u32 s2, $0x1  }
0x9: {  	[smem:$0x7FF] =	sst s3;
	s4 =	sadd.s32 $0x1400, s5;
	s12 =	sshll.u32 s2, $0x14  }
0xa: {  	s7 =	sor.u32 s10, s28;
	_ =	strace $0x80000047;
	s13 =	ssub.s32 $0x2, s10  }
0xb: {  	s12 =	sadd.s32 s12, s5;
	s30 =	sshll.u32 s10, $0x13;
	s9 =	sshll.u32 s7, $0x4  }
0xc: {  	s14 =	sshll.u32 s7, $0xB;
	s15 =	sshrl.u32 s13, $0x1;
	s29 =	sshll.u32 s7, $0xC  }
0xd: {  	s31 =	sadd.s32 s30, s12;
	s11 =	sadd.s32 s9, s5;
	s14 =	sadd.s32 s14, s5  }
0xe: {  	s13 =	ssub.s32 s13, s15;
	s5 =	sadd.s32 s6, s29;
	s8 =	sadd.s32 s8, s9  }
0xf: {  	s15 =	simm.s32 $0x80;
	s6 =	sadd.s32 $0x1200, s11;
	s7 =	sadd.s32 $0x15400, s14  }
0x10: {  	s9 =	sadd.s32 $0x25400, s14;
	s10 =	sadd.s32 $0x1000, s11;
	s11 =	sadd.s32 $0x5400, s14  }
0x11: {  	s12 =	smax.u32 s13, $0x1;
	s13 =	sadd.s32 $0x35400, s31;
	s14 =	simm.s32 $0x2  }
.LBB2_1:
0x12: {  	[tilespmem:s3], [sflag:$0x2] =	stream.linear.gather [hbm4b:s5+s3], $0x8000, $0x38;
	[tilespmem:$0x10080] =	vst v63  }
0x13: {  	_ =	swait.ge [sflag:s14], $0x8000  }
0x14: {  	[sflag:s14] =	ssyncset.done $0x0  }
0x15: {  	s21 =	simm.s32 $0x0;
	[sflag:s14] =	ssyncadd.s32 $0xFFFF8000  }
0x16: {  	[tilespmem:s16], [sflag:$0x1] =	stream.indirect.gather [hbm4b:s1+s15], $0x80, s21, s15, $0xb8;
	[tilespmem:$0x10080] =	vst v63  }
0x17: {  	_ =	swait.ge [sflag:s17], $0x4000  }
0x18: {  	[sflag:s17] =	ssyncset.done $0x0  }
0x19: {  	[sflag:s17] =	ssyncadd.s32 $0xFFFFC000  }
0x1a: {  	[hbm4b:s13+s3] =	stream.linear.scatter [tilespmem:s16], [sflag:$0x2], $0x4000, $0x38;
	[tilespmem:$0x10080] =	vst v63  }
0x1b: {  	s22 =	simm.s32 $0x200;
	_ =	swait.ge [sflag:s14], $0x4000  }
0x1c: {  	s23 =	simm.s32 $0x400;
	s21 =	sadd.s32 $0x800, s13;
	[sflag:s14] =	ssyncset.done $0x0  }
.LBB2_2:
0x1d: {  	s24 =	sshra.s32 s22, $0x2  }
0x1e: {  	[sflag:s14] =	ssyncadd.s32 $0xFFFFC000;
	s22 =	smov.u32 s23;
	s25 =	sadd.s32 $0x200, s23  }
0x1f: {  	[tilespmem:s16], [sflag:$0x1] =	stream.indirect.gather [hbm4b:s1+s15], $0x80, s24, s15, $0xb8;
	[tilespmem:$0x10080] =	vst v63  }
0x20: {  	p0 =	sne.s32 s23, $0x1FE00;
	_ =	swait.ge [sflag:s17], $0x4000  }
.Ltmp0:
0x21: {  	[sflag:s17] =	ssyncset.done $0x0;
	(pc) =	sbr.rel @p0 .LBB2_2-.Ltmp0, $4  }
0x22: {  	[sflag:s17] =	ssyncadd.s32 $0xFFFFC000  }
0x23: {  	[hbm4b:s21+s3] =	stream.linear.scatter [tilespmem:s16], [sflag:$0x2], $0x4000, $0x38;
	[tilespmem:$0x10080] =	vst v63  }
0x24: {  	_ =	swait.ge [sflag:s14], $0x4000  }
0x25: {  	s23 =	smov.u32 s25;
	s21 =	sadd.s32 $0x800, s21;
	[sflag:s14] =	ssyncset.done $0x0  }
0x26: {  	s22 =	sshra.s32 s22, $0x2;
	[sflag:s14] =	ssyncadd.s32 $0xFFFFC000  }
0x27: {  	[tilespmem:s16], [sflag:$0x1] =	stream.indirect.gather [hbm4b:s1+s15], $0x80, s22, s15, $0xb8;
	[tilespmem:$0x10080] =	vst v63  }
0x28: {  	_ =	swait.ge [sflag:s17], $0x4000  }
0x29: {  	[sflag:s17] =	ssyncset.done $0x0  }
0x2a: {  	[sflag:s17] =	ssyncadd.s32 $0xFFFFC000  }
0x2b: {  	[hbm4b:s21+s3] =	stream.linear.scatter [tilespmem:s16], [sflag:$0x2], $0x4000, $0x38;
	[tilespmem:$0x10080] =	vst v63  }
0x2c: {  	_ =	swait.ge [sflag:s14], $0x4000  }
0x2d: {  	[sflag:s14] =	ssyncset.done $0x0  }
0x2e: {  	[sflag:s14] =	ssyncadd.s32 $0xFFFFC000  }
0x2f: {  	[tilespmem:s18], [sflag:$0x2] =	stream.linear.gather [hbm4b:s6+s3], $0x80, $0x38;
	[tilespmem:$0x10080] =	vst v63  }
0x30: {  	_ =	swait.ge [sflag:s14], $0x80  }
0x31: {  	[sflag:s14] =	ssyncset.done $0x0  }
0x32: {  	[sflag:s14] =	ssyncadd.s32 $0xFFFFFF80  }
0x33: {  	[tilespmem:s19], [sflag:$0x1] =	stream.indirect.gather [hbm4b:s1+s15], $0x80, s18, s15, $0xb8;
	[tilespmem:$0x10080] =	vst v63  }
0x34: {  	_ =	swait.ge [sflag:s17], $0x4000  }
0x35: {  	[sflag:s17] =	ssyncset.done $0x0  }
0x36: {  	[sflag:s17] =	ssyncadd.s32 $0xFFFFC000  }
0x37: {  	[hbm4b:s7+s3] =	stream.linear.scatter [tilespmem:s19], [sflag:$0x2], $0x4000, $0x38;
	[tilespmem:$0x10080] =	vst v63  }
0x38: {  	_ =	swait.ge [sflag:s14], $0x4000  }
0x39: {  	[sflag:s14] =	ssyncset.done $0x0  }
0x3a: {  	[sflag:s14] =	ssyncadd.s32 $0xFFFFC000  }
0x3b: {  	[tilespmem:s18], [sflag:$0x2] =	stream.linear.gather [hbm4b:s8+s3], $0x80, $0x38;
	[tilespmem:$0x10080] =	vst v63  }
0x3c: {  	_ =	swait.ge [sflag:s14], $0x80  }
0x3d: {  	[sflag:s14] =	ssyncset.done $0x0  }
0x3e: {  	[sflag:s14] =	ssyncadd.s32 $0xFFFFFF80  }
0x3f: {  	[tilespmem:s19], [sflag:$0x1] =	stream.indirect.gather [hbm4b:s1+s15], $0x80, s18, s15, $0xb8;
	[tilespmem:$0x10080] =	vst v63  }
0x40: {  	_ =	swait.ge [sflag:s17], $0x4000  }
0x41: {  	[sflag:s17] =	ssyncset.done $0x0  }
0x42: {  	[sflag:s17] =	ssyncadd.s32 $0xFFFFC000  }
0x43: {  	[hbm4b:s9+s3] =	stream.linear.scatter [tilespmem:s19], [sflag:$0x2], $0x4000, $0x38;
	[tilespmem:$0x10080] =	vst v63  }
0x44: {  	_ =	swait.ge [sflag:s14], $0x4000  }
0x45: {  	[sflag:s14] =	ssyncset.done $0x0  }
0x46: {  	[sflag:s14] =	ssyncadd.s32 $0xFFFFC000  }
0x47: {  	[tilespmem:s18], [sflag:$0x2] =	stream.linear.gather [hbm4b:s10+s3], $0x80, $0x38;
	[tilespmem:$0x10080] =	vst v63  }
0x48: {  	_ =	swait.ge [sflag:s14], $0x80  }
0x49: {  	[sflag:s14] =	ssyncset.done $0x0  }
0x4a: {  	[sflag:s14] =	ssyncadd.s32 $0xFFFFFF80  }
0x4b: {  	[tilespmem:s19], [sflag:$0x1] =	stream.indirect.gather [hbm4b:s4+s15], $0x80, s18, s15, $0xb8;
	[tilespmem:$0x10080] =	vst v63  }
0x4c: {  	s20 =	sadd.s32 $0x1, s20;
	_ =	swait.ge [sflag:s17], $0x4000  }
0x4d: {  	p0 =	sne.s32 s20, s12;
	[sflag:s17] =	ssyncset.done $0x0  }
.Ltmp1:
0x4e: {  	[sflag:s17] =	ssyncadd.s32 $0xFFFFC000;
	(pc) =	sbr.rel @p0 .LBB2_1-.Ltmp1, $4  }
0x4f: {  	[hbm4b:s11+s3] =	stream.linear.scatter [tilespmem:s19], [sflag:$0x2], $0x4000, $0x38;
	[tilespmem:$0x10080] =	vst v63  }
0x50: {  	_ =	swait.ge [sflag:s14], $0x4000  }
0x51: {  	[sflag:s14] =	ssyncset.done $0x0  }
0x52: {  	[sflag:s14] =	ssyncadd.s32 $0xFFFFC000  }
0x53: {  	_ =	sfence.sel $0x180000  }
0x54: {  	[bflag:$0x0] =	sbarrier.arrive $0xFFFF  }
0x55: {  	p0 =	sne.s32 s2, $0x0;
	_ =	strace $0x90000047  }
0x56: {  	s0 =	sadd.s32 @!p0 $0x100000, s0;
	[bflag:$0x2] =	sbarrier.arrive $0xFFFF  }
0x57: {  	[sflag:s0] =	ssyncadd.tile.s32 @!p0 $0x1;
	_ =	shalt  }
.Lfunc_end2:
_tile_overlayer_lowered:
.L_overlay_start_2:
0x58: {  	(tag) =	ssettag $0x2  }
0x59: {  	s0 =	rddreg [dreg:$0x0];
	s2 =	stileid.u32  }
0x5a: {  	s1 =	rddreg [dreg:$0x1];
	p0 =	sne.s32 s2, $0x0  }
0x5b: {  	s3 =	rddreg [dreg:$0x2];
	[bflag:$0x3] =	sbarrier.arrive $0xFFFF;
	s2 =	simm.s32 @!p0 $0x1C02  }
0x5c: {  	[timem:s3], [sflag:s2] =	dma.local @!p0 [hbm:s0], s1  }
0x5d: {  	s0 =	simm.s32 @!p0 $0x2  }
0x5e: {  	_ =	swait.ge @!p0 [sflag:s0], s1  }
0x5f: {  	s1 =	ssub.s32 @!p0 $0x0, s1;
	[sflag:s0] =	ssyncset.done @!p0 $0x0  }
0x60: {  	[sflag:s0] =	ssyncadd.s32 @!p0 s1  }
0x61: {  	[bflag:$0x3] =	sbarrier.arrive $0xFFFF  }
0x62: {  	_ =	shalt  }

</sc_bundles>
